<compile_context>
chip_gen: v7x
topology: tpu7x:2x2x1
jax: 0.10.2.dev20260603
libtpu: 0.0.44.dev20260713+nightly
codegen_flags: <defaults>
</compile_context>

<pallas_src>
import functools

import jax
import jax.numpy as jnp
import numpy as np
from jax import lax
from jax.experimental import pallas as pl
from jax.experimental.pallas import tpu as pltpu
from jax.experimental.pallas import tpu_sc as plsc

_VOCAB = 30522
_RATE = 0.15
_MAXSEL = 640
_MASK_ID = 103
_B, _S = 16, 4096
_L = 16
_CW = 640
_CAND_CHUNKS = _CW // _L
_OUT_CHUNKS = _MAXSEL // _L


def _threefry2x32(k1, k2, x0, x1):
    u32 = np.uint32
    rots = [np.array([13, 15, 26, 6]), np.array([17, 29, 16, 24])]
    ks = [u32(k1), u32(k2), u32(k1) ^ u32(k2) ^ u32(0x1BD11BDA)]
    x = [x0.astype(np.uint32).copy(), x1.astype(np.uint32).copy()]
    x[0] = x[0] + ks[0]
    x[1] = x[1] + ks[1]
    ks_rot = ks[1:] + ks[:1]
    for i in range(5):
        for r in rots[0]:
            x[0] = x[0] + x[1]
            x[1] = ((x[1] << u32(r)) | (x[1] >> u32(32 - int(r)))).astype(np.uint32)
            x[1] = x[0] ^ x[1]
        x = [x[0] + ks_rot[0], x[1] + ks_rot[1] + u32(i + 1)]
        ks_rot = ks_rot[1:] + ks_rot[:1]
        rots = rots[1:] + rots[:1]
    return x[0], x[1]


def _iota_2x32(shape):
    idx = np.arange(int(np.prod(shape)), dtype=np.uint64)
    return (
        (idx >> np.uint64(32)).astype(np.uint32).reshape(shape),
        (idx & np.uint64(0xFFFFFFFF)).astype(np.uint32).reshape(shape),
    )


def _np_split(key, num):
    b1, b2 = _threefry2x32(key[0], key[1], *_iota_2x32((num,)))
    return np.stack([b1, b2], axis=1)


def _np_bits(key, shape):
    b1, b2 = _threefry2x32(key[0], key[1], *_iota_2x32(shape))
    return b1 ^ b2


def _np_uniform(key, shape):
    bits = _np_bits(key, shape)
    fb = (bits >> np.uint32(9)) | np.uint32(0x3F800000)
    return fb.view(np.float32) - np.float32(1.0)


def _np_randint(key, shape, span):
    k1, k2 = _np_split(key, 2)
    hi, lo = _np_bits(k1, shape), _np_bits(k2, shape)
    u32, u64 = np.uint32, np.uint64
    span = u32(span)
    mult = u32(2**16) % span
    mult = u32((u64(mult) * u64(mult)) % u64(span))
    off = ((hi % span) * mult + (lo % span)) % span
    return off.astype(np.int32)


def _build_candidates() -> np.ndarray:
    key = np.array([0, 42], dtype=np.uint32)
    k_sel, k_choice, k_rand = _np_split(key, 3)
    sel = _np_uniform(k_sel, (_B, _S)) < _RATE
    choice = _np_uniform(k_choice, (_B, _S))
    rand_tok = _np_randint(k_rand, (_B, _S), _VOCAB)
    keep = choice >= 0.9
    cval = np.where(choice < 0.8, np.int32(_MASK_ID), rand_tok)

    cand = np.full((_B, _CW), np.int32(1 << 28), dtype=np.int32)
    for r in range(_B):
        pos = np.nonzero(sel[r])[0].astype(np.int32)
        assert len(pos) <= _CW
        packed = pos | (cval[r, pos] << 12) | (keep[r, pos].astype(np.int32) << 27)
        cand[r, : len(pos)] = packed
    return cand


_CAND = _build_candidates()

_mesh = plsc.VectorSubcoreMesh(
    core_axis_name="c", subcore_axis_name="s", num_cores=2, num_subcores=16
)


@functools.partial(
    pl.kernel,
    out_type=(
        jax.ShapeDtypeStruct((_B, _S), jnp.int32),
        jax.ShapeDtypeStruct((_B, _MAXSEL), jnp.int32),
        jax.ShapeDtypeStruct((_B, _MAXSEL), jnp.int32),
        jax.ShapeDtypeStruct((_B, _MAXSEL), jnp.float32),
    ),
    mesh=_mesh,
    compiler_params=pltpu.CompilerParams(
        needs_layout_passes=False,
        skip_device_barrier=True,
        disable_bounds_checks=True,
        disable_semaphore_checks=True,
    ),
    scratch_types=(
        pltpu.VMEM((_S,), jnp.int32),
        pltpu.VMEM((_CW,), jnp.int32),
        pltpu.VMEM((_MAXSEL,), jnp.int32),
        pltpu.VMEM((_MAXSEL,), jnp.int32),
        pltpu.VMEM((_MAXSEL,), jnp.float32),
        pltpu.SemaphoreType.DMA,
    ),
)
def _mlm_sc_kernel(inp_hbm, cand_hbm, tok_hbm, pos_hbm, ids_hbm, w_hbm,
                   row_v, cand_v, opos_v, oids_v, ow_v, sem):
    wid = lax.axis_index("s") * _mesh.num_cores + lax.axis_index("c")

    @pl.when(wid < _B)
    def _row():
        row = wid
        cp_in = pltpu.async_copy(inp_hbm.at[row], row_v, sem)
        cp_cd = pltpu.async_copy(cand_hbm.at[row], cand_v, sem)

        zi = jnp.zeros((_L,), jnp.int32)
        zf = jnp.zeros((_L,), jnp.float32)

        @plsc.parallel_loop(0, _OUT_CHUNKS, unroll=4)
        def _zero(j):
            base = j * _L
            opos_v[pl.ds(base, _L)] = zi
            oids_v[pl.ds(base, _L)] = zi
            ow_v[pl.ds(base, _L)] = zf

        cp_cd.wait()
        cp_in.wait()
        ones_f = jnp.ones((_L,), jnp.float32)

        @plsc.parallel_loop(0, _CAND_CHUNKS, unroll=5,
                            carry=jnp.zeros((_L,), jnp.int32))
        def cnt_v(i, c):
            p = cand_v[pl.ds(i * _L, _L)]
            cpos = p & 0xFFF
            x = plsc.load_gather(row_v, [cpos])
            selectable = (x != 0) & (x != 101) & (x != 102)
            sel = selectable & (p < (1 << 28))
            csum = plsc.cumsum(jnp.where(sel, 1, 0))
            gpos = c + csum - 1
            plsc.store_scatter(opos_v, [gpos], cpos, mask=sel)
            plsc.store_scatter(oids_v, [gpos], x, mask=sel)
            plsc.store_scatter(ow_v, [gpos], ones_f, mask=sel)
            repl = sel & (((p >> 27) & 1) == 0)
            plsc.store_scatter(row_v, [cpos], (p >> 12) & 0x7FFF, mask=repl)
            return c + plsc.all_reduce_population_count(sel)

        del cnt_v
        cp0 = pltpu.async_copy(row_v, tok_hbm.at[row], sem)
        cp1 = pltpu.async_copy(opos_v, pos_hbm.at[row], sem)
        cp2 = pltpu.async_copy(oids_v, ids_hbm.at[row], sem)
        cp3 = pltpu.async_copy(ow_v, w_hbm.at[row], sem)
        cp0.wait()
        cp1.wait()
        cp2.wait()
        cp3.wait()


def kernel(inputs):
    cand = jnp.asarray(_CAND)
    tokens, pos, ids, w = _mlm_sc_kernel(inputs, cand)
    return tokens, pos, ids, w

# --- scband reference (transcript-rebuilt; emitter-appended) ---
"""Pipeline reference for scband-mlmmask-generator-47236050321626 (READ-ONLY COPY).

The authoritative reference and input builder live on the scoring server;
editing this copy changes nothing except your own understanding.
"""

import jax, jax.numpy as jnp
import numpy as np

VOCAB = 30522
RATE = 0.15
MAXSEL = 640
MASK_ID = 103
MASK_TOKEN_RATE = 0.8
RANDOM_TOKEN_RATE = 0.1
UNSELECTABLE = np.array([0, 101, 102], dtype=np.int32)


def setup_inputs(seed: int = 0) -> dict:
    key = jax.random.key(seed)
    inputs = jax.random.randint(key, (16, 4096), 0, VOCAB, dtype=jnp.int32)
    return {"inputs": inputs}


def reference(inputs):
    B, S = inputs.shape
    key = jax.random.key(42)
    k_sel, k_choice, k_rand = jax.random.split(key, 3)

    unsel = jnp.asarray(UNSELECTABLE, dtype=inputs.dtype)
    # token is selectable if it is not one of the unselectable ids (incl. padding id 0)
    selectable = ~(inputs[..., None] == unsel[None, None, :]).any(axis=-1)

    # RandomItemSelector: select each selectable token with prob RATE,
    # capped at MAXSEL selections per sequence (first-come order).
    sel_rand = jax.random.uniform(k_sel, (B, S))
    selected = (sel_rand < RATE) & selectable
    csum = jnp.cumsum(selected.astype(jnp.int32), axis=1)
    selected = selected & (csum <= MAXSEL)

    # MaskValuesChooser: 80% -> mask token, 10% -> random token, 10% -> unchanged
    choice = jax.random.uniform(k_choice, (B, S))
    rand_tok = jax.random.randint(k_rand, (B, S), 0, VOCAB, dtype=inputs.dtype)
    masked_vals = jnp.where(
        choice < MASK_TOKEN_RATE,
        jnp.asarray(MASK_ID, inputs.dtype),
        jnp.where(choice < MASK_TOKEN_RATE + RANDOM_TOKEN_RATE, rand_tok, inputs),
    )
    tokens = jnp.where(selected, masked_vals, inputs)

    # Gather selected positions per row, pad to MAXSEL (dense output path).
    col = jnp.arange(S, dtype=jnp.int64)[None, :]
    pos = jnp.where(selected, col, jnp.int64(S))  # sentinel S for unselected
    pos_sorted = jnp.sort(pos, axis=1)[:, :MAXSEL]
    valid = pos_sorted < S
    mask_positions = jnp.where(valid, pos_sorted, jnp.int64(0))
    mask_weights = valid.astype(jnp.float32)
    mask_ids = jnp.take_along_axis(inputs, mask_positions.astype(jnp.int32), axis=1)
    mask_ids = mask_ids * valid.astype(inputs.dtype)

    return tokens, mask_positions, mask_ids, mask_weights

if __name__ == "__main__":
    import jax
    _d = setup_inputs()
    print(jax.jit(kernel)(*tuple(_d.values())))

</pallas_src>

<mosaic_0001>
#map = affine_map<(d0, d1) -> (0, 0)>
module attributes {stable_mosaic.version = 14 : i64} {
  func.func @_mlm_sc_kernel(%arg0: i32, %arg1: i32, %arg2: memref<16x4096xi32, #tpu.memory_space<hbm>>, %arg3: memref<16x640xi32, #tpu.memory_space<hbm>>, %arg4: memref<16x4096xi32, #tpu.memory_space<hbm>>, %arg5: memref<16x640xi32, #tpu.memory_space<hbm>>, %arg6: memref<16x640xi32, #tpu.memory_space<hbm>>, %arg7: memref<16x640xf32, #tpu.memory_space<hbm>>, %arg8: memref<4096xi32, #tpu.memory_space<vmem>>, %arg9: memref<640xi32, #tpu.memory_space<vmem>>, %arg10: memref<640xi32, #tpu.memory_space<vmem>>, %arg11: memref<640xi32, #tpu.memory_space<vmem>>, %arg12: memref<640xf32, #tpu.memory_space<vmem>>, %arg13: memref<!tpu.dma_semaphore, #tpu.memory_space<semaphore_mem>>) attributes {dimension_semantics = [#tpu.dimension_semantics<core_parallel>, #tpu.dimension_semantics<subcore_parallel>], iteration_bounds = array<i64: 2, 16>, scalar_prefetch = 0 : i64, scratch_operands = 6 : i64, tpu.core_type = #tpu.core_type<sc_vector_subcore>, window_params = [{transform_indices = #map}, {transform_indices = #map}, {transform_indices = #map}, {transform_indices = #map}, {transform_indices = #map}, {transform_indices = #map}]} {
    %mul3A = arith.constant 2 : i32
    %mul3A_0 = arith.muli %arg1, %mul3A : i32
    %add3A = arith.addi %mul3A_0, %arg0 : i32
    %lt3A = arith.constant 16 : i32
    %lt3A_1 = arith.cmpi slt, %add3A, %lt3A : i32
    %convert_element_type3A = arith.extui %lt3A_1 : i1 to i32
    %cond3A = arith.constant 0 : i32
    %cond3A_2 = arith.cmpi ne, %convert_element_type3A, %cond3A : i32
    scf.if %cond3A_2 {
      %dma_start3A = arith.constant 0 : i32
      %dma_start3A_3 = tpu.memref_slice %arg2[%add3A, %dma_start3A] : memref<16x4096xi32, #tpu.memory_space<hbm>> -> memref<1x4096xi32, #tpu.memory_space<hbm>>
      %dma_start3A_4 = tpu.memref_squeeze %dma_start3A_3 : memref<1x4096xi32, #tpu.memory_space<hbm>> -> memref<4096xi32, #tpu.memory_space<hbm>>
      %dma_start3A_5 = arith.constant 0 : i32
      %dma_start3A_6 = tpu.memref_slice %arg2[%add3A, %dma_start3A_5] : memref<16x4096xi32, #tpu.memory_space<hbm>> -> memref<1x4096xi32, #tpu.memory_space<hbm>>
      %dma_start3A_7 = tpu.memref_squeeze %dma_start3A_6 : memref<1x4096xi32, #tpu.memory_space<hbm>> -> memref<4096xi32, #tpu.memory_space<hbm>>
      tpu.enqueue_dma source(%dma_start3A_7 : memref<4096xi32, #tpu.memory_space<hbm>>) target(%arg8 : memref<4096xi32, #tpu.memory_space<vmem>>) target_semaphore(%arg13 : memref<!tpu.dma_semaphore, #tpu.memory_space<semaphore_mem>>)
      %dma_start3A_8 = arith.constant 0 : i32
      %dma_start3A_9 = tpu.memref_slice %arg3[%add3A, %dma_start3A_8] : memref<16x640xi32, #tpu.memory_space<hbm>> -> memref<1x640xi32, #tpu.memory_space<hbm>>
      %dma_start3A_10 = tpu.memref_squeeze %dma_start3A_9 : memref<1x640xi32, #tpu.memory_space<hbm>> -> memref<640xi32, #tpu.memory_space<hbm>>
      %dma_start3A_11 = arith.constant 0 : i32
      %dma_start3A_12 = tpu.memref_slice %arg3[%add3A, %dma_start3A_11] : memref<16x640xi32, #tpu.memory_space<hbm>> -> memref<1x640xi32, #tpu.memory_space<hbm>>
      %dma_start3A_13 = tpu.memref_squeeze %dma_start3A_12 : memref<1x640xi32, #tpu.memory_space<hbm>> -> memref<640xi32, #tpu.memory_space<hbm>>
      tpu.enqueue_dma source(%dma_start3A_13 : memref<640xi32, #tpu.memory_space<hbm>>) target(%arg9 : memref<640xi32, #tpu.memory_space<vmem>>) target_semaphore(%arg13 : memref<!tpu.dma_semaphore, #tpu.memory_space<semaphore_mem>>)
      %broadcast_in_dim3A = arith.constant 0 : i32
      %broadcast_in_dim3A_14 = vector.broadcast %broadcast_in_dim3A : i32 to vector<16xi32>
      %broadcast_in_dim3A_15 = arith.constant 0.000000e+00 : f32
      %broadcast_in_dim3A_16 = vector.broadcast %broadcast_in_dim3A_15 : f32 to vector<16xf32>
      %parallel_loop3A = arith.constant 0 : i32
      %parallel_loop3A_17 = arith.constant 40 : i32
      %parallel_loop3A_18 = arith.constant 1 : i32
      scf.for %parallel_loop3A_86 = %parallel_loop3A to %parallel_loop3A_17 step %parallel_loop3A_18  : i32 {
        %parallel_loop3A_87 = arith.constant 16 : i32
        %parallel_loop3A_88 = arith.muli %parallel_loop3A_86, %parallel_loop3A_87 : i32
        %parallel_loop3A_89 = arith.index_cast %parallel_loop3A_88 : i32 to index
        %parallel_loop3A_90 = tpu.vector_load %arg10[%parallel_loop3A_89] {strides = array<i32>} : memref<640xi32, #tpu.memory_space<vmem>>, vector<16xi32>,
        tpu.vector_store %arg10[%parallel_loop3A_89], %broadcast_in_dim3A_14 {strides = array<i32>} : memref<640xi32, #tpu.memory_space<vmem>>, vector<16xi32>,
        %parallel_loop3A_91 = arith.index_cast %parallel_loop3A_88 : i32 to index
        %parallel_loop3A_92 = tpu.vector_load %arg11[%parallel_loop3A_91] {strides = array<i32>} : memref<640xi32, #tpu.memory_space<vmem>>, vector<16xi32>,
        tpu.vector_store %arg11[%parallel_loop3A_91], %broadcast_in_dim3A_14 {strides = array<i32>} : memref<640xi32, #tpu.memory_space<vmem>>, vector<16xi32>,
        %parallel_loop3A_93 = arith.index_cast %parallel_loop3A_88 : i32 to index
        %parallel_loop3A_94 = tpu.vector_load %arg12[%parallel_loop3A_93] {strides = array<i32>} : memref<640xf32, #tpu.memory_space<vmem>>, vector<16xf32>,
        tpu.vector_store %arg12[%parallel_loop3A_93], %broadcast_in_dim3A_16 {strides = array<i32>} : memref<640xf32, #tpu.memory_space<vmem>>, vector<16xf32>,
      } {sc.loop_unroll_factor = 4 : i64, sc.parallel_access}
      %dma_wait3A = arith.constant 0 : i32
      %dma_wait3A_19 = tpu.memref_slice %arg3[%add3A, %dma_wait3A] : memref<16x640xi32, #tpu.memory_space<hbm>> -> memref<1x640xi32, #tpu.memory_space<hbm>>
      %dma_wait3A_20 = tpu.memref_squeeze %dma_wait3A_19 : memref<1x640xi32, #tpu.memory_space<hbm>> -> memref<640xi32, #tpu.memory_space<hbm>>
      %dma_wait3A_21 = arith.constant 0 : i32
      %dma_wait3A_22 = tpu.memref_slice %arg3[%add3A, %dma_wait3A_21] : memref<16x640xi32, #tpu.memory_space<hbm>> -> memref<1x640xi32, #tpu.memory_space<hbm>>
      %dma_wait3A_23 = tpu.memref_squeeze %dma_wait3A_22 : memref<1x640xi32, #tpu.memory_space<hbm>> -> memref<640xi32, #tpu.memory_space<hbm>>
      tpu.wait_dma2 semaphore(%arg13 : memref<!tpu.dma_semaphore, #tpu.memory_space<semaphore_mem>>) src(%dma_wait3A_23 : memref<640xi32, #tpu.memory_space<hbm>>) dst(%arg9 : memref<640xi32, #tpu.memory_space<vmem>>)
      %dma_wait3A_24 = arith.constant 0 : i32
      %dma_wait3A_25 = tpu.memref_slice %arg2[%add3A, %dma_wait3A_24] : memref<16x4096xi32, #tpu.memory_space<hbm>> -> memref<1x4096xi32, #tpu.memory_space<hbm>>
      %dma_wait3A_26 = tpu.memref_squeeze %dma_wait3A_25 : memref<1x4096xi32, #tpu.memory_space<hbm>> -> memref<4096xi32, #tpu.memory_space<hbm>>
      %dma_wait3A_27 = arith.constant 0 : i32
      %dma_wait3A_28 = tpu.memref_slice %arg2[%add3A, %dma_wait3A_27] : memref<16x4096xi32, #tpu.memory_space<hbm>> -> memref<1x4096xi32, #tpu.memory_space<hbm>>
      %dma_wait3A_29 = tpu.memref_squeeze %dma_wait3A_28 : memref<1x4096xi32, #tpu.memory_space<hbm>> -> memref<4096xi32, #tpu.memory_space<hbm>>
      tpu.wait_dma2 semaphore(%arg13 : memref<!tpu.dma_semaphore, #tpu.memory_space<semaphore_mem>>) src(%dma_wait3A_29 : memref<4096xi32, #tpu.memory_space<hbm>>) dst(%arg8 : memref<4096xi32, #tpu.memory_space<vmem>>)
      %broadcast_in_dim3A_30 = arith.constant 1.000000e+00 : f32
      %broadcast_in_dim3A_31 = vector.broadcast %broadcast_in_dim3A_30 : f32 to vector<16xf32>
      %broadcast_in_dim3A_32 = arith.constant 0 : i32
      %broadcast_in_dim3A_33 = vector.broadcast %broadcast_in_dim3A_32 : i32 to vector<16xi32>
      %parallel_loop3A_34 = arith.constant 0 : i32
      %parallel_loop3A_35 = arith.constant 40 : i32
      %parallel_loop3A_36 = arith.constant 1 : i32
      %parallel_loop3A_37 = scf.for %parallel_loop3A_86 = %parallel_loop3A_34 to %parallel_loop3A_35 step %parallel_loop3A_36 iter_args(%parallel_loop3A_87 = %broadcast_in_dim3A_33) -> (vector<16xi32>)  : i32 {
        %parallel_loop3A_88 = arith.constant 16 : i32
        %parallel_loop3A_89 = arith.muli %parallel_loop3A_86, %parallel_loop3A_88 : i32
        %parallel_loop3A_90 = arith.index_cast %parallel_loop3A_89 : i32 to index
        %parallel_loop3A_91 = tpu.vector_load %arg9[%parallel_loop3A_90] {strides = array<i32>} : memref<640xi32, #tpu.memory_space<vmem>>, vector<16xi32>,
        %parallel_loop3A_92 = arith.constant 4095 : i32
        %parallel_loop3A_93 = vector.broadcast %parallel_loop3A_92 : i32 to vector<16xi32>
        %parallel_loop3A_94 = arith.andi %parallel_loop3A_91, %parallel_loop3A_93 : vector<16xi32>
        %parallel_loop3A_95 = tpu.vector_load_idx %arg8[%parallel_loop3A_94] : memref<4096xi32, #tpu.memory_space<vmem>>[vector<16xi32>], vector<16xi32>,
        %parallel_loop3A_96 = arith.constant 0 : i32
        %parallel_loop3A_97 = vector.broadcast %parallel_loop3A_96 : i32 to vector<16xi32>
        %parallel_loop3A_98 = arith.cmpi ne, %parallel_loop3A_95, %parallel_loop3A_97 : vector<16xi32>
        %parallel_loop3A_99 = arith.constant 101 : i32
        %parallel_loop3A_100 = vector.broadcast %parallel_loop3A_99 : i32 to vector<16xi32>
        %parallel_loop3A_101 = arith.cmpi ne, %parallel_loop3A_95, %parallel_loop3A_100 : vector<16xi32>
        %parallel_loop3A_102 = arith.andi %parallel_loop3A_98, %parallel_loop3A_101 : vector<16xi1>
        %parallel_loop3A_103 = arith.constant 102 : i32
        %parallel_loop3A_104 = vector.broadcast %parallel_loop3A_103 : i32 to vector<16xi32>
        %parallel_loop3A_105 = arith.cmpi ne, %parallel_loop3A_95, %parallel_loop3A_104 : vector<16xi32>
        %parallel_loop3A_106 = arith.andi %parallel_loop3A_102, %parallel_loop3A_105 : vector<16xi1>
        %parallel_loop3A_107 = arith.constant 268435456 : i32
        %parallel_loop3A_108 = vector.broadcast %parallel_loop3A_107 : i32 to vector<16xi32>
        %parallel_loop3A_109 = arith.cmpi slt, %parallel_loop3A_91, %parallel_loop3A_108 : vector<16xi32>
        %parallel_loop3A_110 = arith.andi %parallel_loop3A_106, %parallel_loop3A_109 : vector<16xi1>
        %parallel_loop3A_111 = arith.constant 1 : i32
        %parallel_loop3A_112 = arith.constant 0 : i32
        %parallel_loop3A_113 = vector.broadcast %parallel_loop3A_111 : i32 to vector<16xi32>
        %parallel_loop3A_114 = vector.broadcast %parallel_loop3A_112 : i32 to vector<16xi32>
        %parallel_loop3A_115 = arith.select %parallel_loop3A_110, %parallel_loop3A_113, %parallel_loop3A_114 : vector<16xi1>, vector<16xi32>
        %parallel_loop3A_116 = arith.constant true
        %parallel_loop3A_117 = vector.broadcast %parallel_loop3A_116 : i1 to vector<16xi1>
        %parallel_loop3A_118 = tpu.scan <sum>, %parallel_loop3A_115 masked %parallel_loop3A_117 : vector<16xi32>, vector<16xi1> -> vector<16xi32>
        %parallel_loop3A_119 = arith.addi %parallel_loop3A_87, %parallel_loop3A_118 : vector<16xi32>
        %parallel_loop3A_120 = arith.constant 1 : i32
        %parallel_loop3A_121 = vector.broadcast %parallel_loop3A_120 : i32 to vector<16xi32>
        %parallel_loop3A_122 = arith.subi %parallel_loop3A_119, %parallel_loop3A_121 : vector<16xi32>
        tpu.vector_store_idx %arg10[%parallel_loop3A_122], %parallel_loop3A_94 masked %parallel_loop3A_110 : memref<640xi32, #tpu.memory_space<vmem>>[vector<16xi32>], vector<16xi32>, vector<16xi1>
        tpu.vector_store_idx %arg11[%parallel_loop3A_122], %parallel_loop3A_95 masked %parallel_loop3A_110 : memref<640xi32, #tpu.memory_space<vmem>>[vector<16xi32>], vector<16xi32>, vector<16xi1>
        tpu.vector_store_idx %arg12[%parallel_loop3A_122], %broadcast_in_dim3A_31 masked %parallel_loop3A_110 : memref<640xf32, #tpu.memory_space<vmem>>[vector<16xi32>], vector<16xf32>, vector<16xi1>
        %parallel_loop3A_123 = arith.constant 27 : i32
        %parallel_loop3A_124 = vector.broadcast %parallel_loop3A_123 : i32 to vector<16xi32>
        %parallel_loop3A_125 = arith.shrsi %parallel_loop3A_91, %parallel_loop3A_124 : vector<16xi32>
        %parallel_loop3A_126 = arith.constant 1 : i32
        %parallel_loop3A_127 = vector.broadcast %parallel_loop3A_126 : i32 to vector<16xi32>
        %parallel_loop3A_128 = arith.andi %parallel_loop3A_125, %parallel_loop3A_127 : vector<16xi32>
        %parallel_loop3A_129 = arith.constant 0 : i32
        %parallel_loop3A_130 = vector.broadcast %parallel_loop3A_129 : i32 to vector<16xi32>
        %parallel_loop3A_131 = arith.cmpi eq, %parallel_loop3A_128, %parallel_loop3A_130 : vector<16xi32>
        %parallel_loop3A_132 = arith.andi %parallel_loop3A_110, %parallel_loop3A_131 : vector<16xi1>
        %parallel_loop3A_133 = arith.constant 12 : i32
        %parallel_loop3A_134 = vector.broadcast %parallel_loop3A_133 : i32 to vector<16xi32>
        %parallel_loop3A_135 = arith.shrsi %parallel_loop3A_91, %parallel_loop3A_134 : vector<16xi32>
        %parallel_loop3A_136 = arith.constant 32767 : i32
        %parallel_loop3A_137 = vector.broadcast %parallel_loop3A_136 : i32 to vector<16xi32>
        %parallel_loop3A_138 = arith.andi %parallel_loop3A_135, %parallel_loop3A_137 : vector<16xi32>
        tpu.vector_store_idx %arg8[%parallel_loop3A_94], %parallel_loop3A_138 masked %parallel_loop3A_132 : memref<4096xi32, #tpu.memory_space<vmem>>[vector<16xi32>], vector<16xi32>, vector<16xi1>
        %parallel_loop3A_139 = tpu.all_reduce %parallel_loop3A_110 {dim = 0 : i64, kind = #tpu.reduction_kind<sum>} : vector<16xi1> -> vector<16xi32>
        %parallel_loop3A_140 = arith.addi %parallel_loop3A_87, %parallel_loop3A_139 : vector<16xi32>
        scf.yield %parallel_loop3A_140 : vector<16xi32>
      } {sc.loop_unroll_factor = 5 : i64, sc.parallel_access}
      %dma_start3A_38 = arith.constant 0 : i32
      %dma_start3A_39 = tpu.memref_slice %arg4[%add3A, %dma_start3A_38] : memref<16x4096xi32, #tpu.memory_space<hbm>> -> memref<1x4096xi32, #tpu.memory_space<hbm>>
      %dma_start3A_40 = tpu.memref_squeeze %dma_start3A_39 : memref<1x4096xi32, #tpu.memory_space<hbm>> -> memref<4096xi32, #tpu.memory_space<hbm>>
      %dma_start3A_41 = arith.constant 0 : i32
      %dma_start3A_42 = tpu.memref_slice %arg4[%add3A, %dma_start3A_41] : memref<16x4096xi32, #tpu.memory_space<hbm>> -> memref<1x4096xi32, #tpu.memory_space<hbm>>
      %dma_start3A_43 = tpu.memref_squeeze %dma_start3A_42 : memref<1x4096xi32, #tpu.memory_space<hbm>> -> memref<4096xi32, #tpu.memory_space<hbm>>
      tpu.enqueue_dma source(%arg8 : memref<4096xi32, #tpu.memory_space<vmem>>) target(%dma_start3A_43 : memref<4096xi32, #tpu.memory_space<hbm>>) target_semaphore(%arg13 : memref<!tpu.dma_semaphore, #tpu.memory_space<semaphore_mem>>)
      %dma_start3A_44 = arith.constant 0 : i32
      %dma_start3A_45 = tpu.memref_slice %arg5[%add3A, %dma_start3A_44] : memref<16x640xi32, #tpu.memory_space<hbm>> -> memref<1x640xi32, #tpu.memory_space<hbm>>
      %dma_start3A_46 = tpu.memref_squeeze %dma_start3A_45 : memref<1x640xi32, #tpu.memory_space<hbm>> -> memref<640xi32, #tpu.memory_space<hbm>>
      %dma_start3A_47 = arith.constant 0 : i32
      %dma_start3A_48 = tpu.memref_slice %arg5[%add3A, %dma_start3A_47] : memref<16x640xi32, #tpu.memory_space<hbm>> -> memref<1x640xi32, #tpu.memory_space<hbm>>
      %dma_start3A_49 = tpu.memref_squeeze %dma_start3A_48 : memref<1x640xi32, #tpu.memory_space<hbm>> -> memref<640xi32, #tpu.memory_space<hbm>>
      tpu.enqueue_dma source(%arg10 : memref<640xi32, #tpu.memory_space<vmem>>) target(%dma_start3A_49 : memref<640xi32, #tpu.memory_space<hbm>>) target_semaphore(%arg13 : memref<!tpu.dma_semaphore, #tpu.memory_space<semaphore_mem>>)
      %dma_start3A_50 = arith.constant 0 : i32
      %dma_start3A_51 = tpu.memref_slice %arg6[%add3A, %dma_start3A_50] : memref<16x640xi32, #tpu.memory_space<hbm>> -> memref<1x640xi32, #tpu.memory_space<hbm>>
      %dma_start3A_52 = tpu.memref_squeeze %dma_start3A_51 : memref<1x640xi32, #tpu.memory_space<hbm>> -> memref<640xi32, #tpu.memory_space<hbm>>
      %dma_start3A_53 = arith.constant 0 : i32
      %dma_start3A_54 = tpu.memref_slice %arg6[%add3A, %dma_start3A_53] : memref<16x640xi32, #tpu.memory_space<hbm>> -> memref<1x640xi32, #tpu.memory_space<hbm>>
      %dma_start3A_55 = tpu.memref_squeeze %dma_start3A_54 : memref<1x640xi32, #tpu.memory_space<hbm>> -> memref<640xi32, #tpu.memory_space<hbm>>
      tpu.enqueue_dma source(%arg11 : memref<640xi32, #tpu.memory_space<vmem>>) target(%dma_start3A_55 : memref<640xi32, #tpu.memory_space<hbm>>) target_semaphore(%arg13 : memref<!tpu.dma_semaphore, #tpu.memory_space<semaphore_mem>>)
      %dma_start3A_56 = arith.constant 0 : i32
      %dma_start3A_57 = tpu.memref_slice %arg7[%add3A, %dma_start3A_56] : memref<16x640xf32, #tpu.memory_space<hbm>> -> memref<1x640xf32, #tpu.memory_space<hbm>>
      %dma_start3A_58 = tpu.memref_squeeze %dma_start3A_57 : memref<1x640xf32, #tpu.memory_space<hbm>> -> memref<640xf32, #tpu.memory_space<hbm>>
      %dma_start3A_59 = arith.constant 0 : i32
      %dma_start3A_60 = tpu.memref_slice %arg7[%add3A, %dma_start3A_59] : memref<16x640xf32, #tpu.memory_space<hbm>> -> memref<1x640xf32, #tpu.memory_space<hbm>>
      %dma_start3A_61 = tpu.memref_squeeze %dma_start3A_60 : memref<1x640xf32, #tpu.memory_space<hbm>> -> memref<640xf32, #tpu.memory_space<hbm>>
      tpu.enqueue_dma source(%arg12 : memref<640xf32, #tpu.memory_space<vmem>>) target(%dma_start3A_61 : memref<640xf32, #tpu.memory_space<hbm>>) target_semaphore(%arg13 : memref<!tpu.dma_semaphore, #tpu.memory_space<semaphore_mem>>)
      %dma_wait3A_62 = arith.constant 0 : i32
      %dma_wait3A_63 = tpu.memref_slice %arg4[%add3A, %dma_wait3A_62] : memref<16x4096xi32, #tpu.memory_space<hbm>> -> memref<1x4096xi32, #tpu.memory_space<hbm>>
      %dma_wait3A_64 = tpu.memref_squeeze %dma_wait3A_63 : memref<1x4096xi32, #tpu.memory_space<hbm>> -> memref<4096xi32, #tpu.memory_space<hbm>>
      %dma_wait3A_65 = arith.constant 0 : i32
      %dma_wait3A_66 = tpu.memref_slice %arg4[%add3A, %dma_wait3A_65] : memref<16x4096xi32, #tpu.memory_space<hbm>> -> memref<1x4096xi32, #tpu.memory_space<hbm>>
      %dma_wait3A_67 = tpu.memref_squeeze %dma_wait3A_66 : memref<1x4096xi32, #tpu.memory_space<hbm>> -> memref<4096xi32, #tpu.memory_space<hbm>>
      tpu.wait_dma2 semaphore(%arg13 : memref<!tpu.dma_semaphore, #tpu.memory_space<semaphore_mem>>) src(%arg8 : memref<4096xi32, #tpu.memory_space<vmem>>) dst(%dma_wait3A_67 : memref<4096xi32, #tpu.memory_space<hbm>>)
      %dma_wait3A_68 = arith.constant 0 : i32
      %dma_wait3A_69 = tpu.memref_slice %arg5[%add3A, %dma_wait3A_68] : memref<16x640xi32, #tpu.memory_space<hbm>> -> memref<1x640xi32, #tpu.memory_space<hbm>>
      %dma_wait3A_70 = tpu.memref_squeeze %dma_wait3A_69 : memref<1x640xi32, #tpu.memory_space<hbm>> -> memref<640xi32, #tpu.memory_space<hbm>>
      %dma_wait3A_71 = arith.constant 0 : i32
      %dma_wait3A_72 = tpu.memref_slice %arg5[%add3A, %dma_wait3A_71] : memref<16x640xi32, #tpu.memory_space<hbm>> -> memref<1x640xi32, #tpu.memory_space<hbm>>
      %dma_wait3A_73 = tpu.memref_squeeze %dma_wait3A_72 : memref<1x640xi32, #tpu.memory_space<hbm>> -> memref<640xi32, #tpu.memory_space<hbm>>
      tpu.wait_dma2 semaphore(%arg13 : memref<!tpu.dma_semaphore, #tpu.memory_space<semaphore_mem>>) src(%arg10 : memref<640xi32, #tpu.memory_space<vmem>>) dst(%dma_wait3A_73 : memref<640xi32, #tpu.memory_space<hbm>>)
      %dma_wait3A_74 = arith.constant 0 : i32
      %dma_wait3A_75 = tpu.memref_slice %arg6[%add3A, %dma_wait3A_74] : memref<16x640xi32, #tpu.memory_space<hbm>> -> memref<1x640xi32, #tpu.memory_space<hbm>>
      %dma_wait3A_76 = tpu.memref_squeeze %dma_wait3A_75 : memref<1x640xi32, #tpu.memory_space<hbm>> -> memref<640xi32, #tpu.memory_space<hbm>>
      %dma_wait3A_77 = arith.constant 0 : i32
      %dma_wait3A_78 = tpu.memref_slice %arg6[%add3A, %dma_wait3A_77] : memref<16x640xi32, #tpu.memory_space<hbm>> -> memref<1x640xi32, #tpu.memory_space<hbm>>
      %dma_wait3A_79 = tpu.memref_squeeze %dma_wait3A_78 : memref<1x640xi32, #tpu.memory_space<hbm>> -> memref<640xi32, #tpu.memory_space<hbm>>
      tpu.wait_dma2 semaphore(%arg13 : memref<!tpu.dma_semaphore, #tpu.memory_space<semaphore_mem>>) src(%arg11 : memref<640xi32, #tpu.memory_space<vmem>>) dst(%dma_wait3A_79 : memref<640xi32, #tpu.memory_space<hbm>>)
      %dma_wait3A_80 = arith.constant 0 : i32
      %dma_wait3A_81 = tpu.memref_slice %arg7[%add3A, %dma_wait3A_80] : memref<16x640xf32, #tpu.memory_space<hbm>> -> memref<1x640xf32, #tpu.memory_space<hbm>>
      %dma_wait3A_82 = tpu.memref_squeeze %dma_wait3A_81 : memref<1x640xf32, #tpu.memory_space<hbm>> -> memref<640xf32, #tpu.memory_space<hbm>>
      %dma_wait3A_83 = arith.constant 0 : i32
      %dma_wait3A_84 = tpu.memref_slice %arg7[%add3A, %dma_wait3A_83] : memref<16x640xf32, #tpu.memory_space<hbm>> -> memref<1x640xf32, #tpu.memory_space<hbm>>
      %dma_wait3A_85 = tpu.memref_squeeze %dma_wait3A_84 : memref<1x640xf32, #tpu.memory_space<hbm>> -> memref<640xf32, #tpu.memory_space<hbm>>
      tpu.wait_dma2 semaphore(%arg13 : memref<!tpu.dma_semaphore, #tpu.memory_space<semaphore_mem>>) src(%arg12 : memref<640xf32, #tpu.memory_space<vmem>>) dst(%dma_wait3A_85 : memref<640xf32, #tpu.memory_space<hbm>>)
    } else {
    }
    return
  }
}

</mosaic_0001>

<sc_bundles>
// kernel: kernel.3.cloned.1.call-start
scs
__scs_entry_jumppad:
0x0: {  	(pc) =	sbr.rel $0x88, $3  }
0x1: {  	(tag) =	ssettag $0x0;
	lr =	simm.s32 $0x1  }
0x2: {  	[smem:$0x3FA0] =	sst lr;
	_ =	strace $0xD0000000  }
0x3: {  	_ = 	snop  }
0x4: {  	_ = 	snop  }
0x5: {  	_ = 	snop  }
0x6: {  	_ = 	snop  }
0x7: {  	_ = 	snop  }
__scs_overlays_trampoline_lowered:
0x8: {  	[smem:$0x3FAF] =	sst s0  }
0x9: {  	[smem:$0x3FB0] =	sst s1  }
0xa: {  	[smem:$0x3FB1] =	sst s2  }
0xb: {  	[smem:$0x3FB2] =	sst s3  }
0xc: {  	[smem:$0x3FB3] =	sst s4  }
0xd: {  	[smem:$0x3FB4] =	sst s5  }
0xe: {  	[smem:$0x3FB5] =	sst s6  }
0xf: {  	[smem:$0x3FB6] =	sst s7  }
0x10: {  	[smem:$0x3FB7] =	sst s8  }
0x11: {  	[smem:$0x3FB8] =	sst s9;
	s0 =	simm.s32 @!p0 $0x0  }
0x12: {  	s1 =	sld [smem:$0x3F9E];
	s0 =	simm.s32 @p0 $0x1  }
0x13: {  	[smem:$0x3FB9] =	sst s0;
	s0 =	simm.s32 @!p1 $0x0  }
0x14: {  	s2 =	sld [smem:$0x3F9D];
	s0 =	simm.s32 @p1 $0x1  }
0x15: {  	[smem:$0x3FBA] =	sst s0;
	s0 =	simm.s32 @!p2 $0x0  }
0x16: {  	s3 =	sld [smem:$0x3FDB];
	s0 =	simm.s32 @p2 $0x1  }
0x17: {  	s4 =	simm.s32 $0x1BF5;
	[smem:$0x3FBC] =	sst s0  }
0x18: {  	s0 =	sld [smem:$0x3F9F];
	_ =	swait.ge [sflag:s4], $0x0  }
0x19: {  	s7 =	sld [smem:$0x3FA0]  }
0x1a: {  	s8 =	sadd.s32 $0xFFFFE003, lr  }
0x1b: {  	s9 =	sadd.s32 $0xFFFFFEF7, lr;
	s5 =	simm.s32 $0xFFFFFFFF;
	p2 =	slt.u32 s8, $0xFFFFF086  }
0x1c: {  	p1 =	slt.u32 s9, $0xF7A;
	s5 =	simm.s32 @!p2 $0x0  }
0x1d: {  	s5 =	simm.s32 @p1 $0x1;
	p0 =	seq.s32 s7, s2  }
0x1e: {  	s7 =	smul.u32 @!p0 $0xF7A, s2;
	p2 =	seq.s32 @!p0 s5, $0x0  }
0x1f: {  	s9 =	smul.u32 $0xF7A, s1;
	s8 =	simm.s32 @!p0 $0x1BF5;
	p2 =	por !p2, p0  }
0x20: {  	[sflag:s8] =	ssyncset.s32 @!p0 $0xFFFFF086;
	s6 =	sadd.s32 @!p0 s3, s7;
	s7 =	simm.s32 @!p0 $0x108  }
0x21: {  	s3 =	sadd.s32 s3, s9;
	s6 =	sadd.s32 @!p0 $0x88, s6;
	s7 =	simm.s32 @p2 $0x1082  }
0x22: {  	[simem:s7], [sflag:s8] =	dma.local @!p0 [hbm:s6], $0xF7A  }
0x23: {  	s9 =	sor.u32 $0xD0000000, s2;
	s6 =	simm.s32 $0x108;
	_ =	swait.ge @!p0 [sflag:s8], $0x0  }
0x24: {  	s3 =	sadd.s32 $0x88, s3;
	s6 =	simm.s32 @!p1 $0x1082;
	[sflag:s4] =	ssyncset.s32 $0xFFFFF086  }
0x25: {  	[simem:s6], [sflag:s4] =	dma.local [hbm:s3], $0xF7A  }
0x26: {  	[smem:$0x3FA0] =	sst s1;
	(tag) =	ssettag s2;
	_ =	strace s9  }
0x27: {  	s1 =	sld [smem:$0x3FB0]  }
0x28: {  	s2 =	sld [smem:$0x3FB1]  }
0x29: {  	s4 =	sld [smem:$0x3FB3]  }
0x2a: {  	p0 =	seq.s32 s5, $0x0;
	s5 =	sld [smem:$0x3FB4]  }
0x2b: {  	s6 =	sld [smem:$0x3FB5]  }
0x2c: {  	s7 =	sld [smem:$0x3FB6]  }
0x2d: {  	s3 =	simm.s32 $0x108;
	s8 =	sld [smem:$0x3FB7]  }
0x2e: {  	s3 =	simm.s32 @!p0 $0x1082;
	s9 =	sld [smem:$0x3FB8]  }
0x2f: {  	lr =	sadd.s32 s0, s3;
	s0 =	sld [smem:$0x3FAF]  }
0x30: {  	s3 =	sld [smem:$0x3FB2]  }
0x31: {  	[smem:$0x3FBB] =	sst s10  }
0x32: {  	s10 =	sld [smem:$0x3FB9];
	_ =	sdelay $0x3  }
0x33: {  	p0 =	seq.s32 s10, $0x1;
	s10 =	sld [smem:$0x3FBB];
	_ =	sdelay $0x3  }
0x34: {  	[smem:$0x3FBB] =	sst s10  }
0x35: {  	s10 =	sld [smem:$0x3FBA];
	_ =	sdelay $0x3  }
0x36: {  	p1 =	seq.s32 s10, $0x1;
	s10 =	sld [smem:$0x3FBB];
	_ =	sdelay $0x3  }
0x37: {  	[smem:$0x3FBB] =	sst s10  }
0x38: {  	s10 =	sld [smem:$0x3FBC]  }
0x39: {  	_ = 	snop;
	(pc) =	sbr.ind lr, $3  }
0x3a: {  	_ = 	snop  }
0x3b: {  	_ = 	snop  }
0x3c: {  	p2 =	seq.s32 s10, $0x1;
	s10 =	sld [smem:$0x3FBB]  }
0x3d: {  	_ =	shalt  }
0x3e: {  	_ =	shalt  }
0x3f: {  	_ =	shalt  }
0x40: {  	_ =	shalt  }
0x41: {  	_ =	shalt  }
0x42: {  	_ =	shalt  }
0x43: {  	_ =	shalt  }
0x44: {  	_ =	shalt  }
0x45: {  	_ =	shalt  }
0x46: {  	_ =	shalt  }
0x47: {  	_ =	shalt  }
0x48: {  	_ =	shalt  }
0x49: {  	_ =	shalt  }
0x4a: {  	_ =	shalt  }
0x4b: {  	_ =	shalt  }
0x4c: {  	_ =	shalt  }
0x4d: {  	_ =	shalt  }
0x4e: {  	_ =	shalt  }
0x4f: {  	_ =	shalt  }
0x50: {  	_ =	shalt  }
0x51: {  	_ =	shalt  }
0x52: {  	_ =	shalt  }
0x53: {  	_ =	shalt  }
0x54: {  	_ =	shalt  }
0x55: {  	_ =	shalt  }
0x56: {  	_ =	shalt  }
0x57: {  	_ =	shalt  }
0x58: {  	_ =	shalt  }
0x59: {  	_ =	shalt  }
0x5a: {  	_ =	shalt  }
0x5b: {  	_ =	shalt  }
0x5c: {  	_ =	shalt  }
0x5d: {  	_ =	shalt  }
0x5e: {  	_ =	shalt  }
0x5f: {  	_ =	shalt  }
0x60: {  	_ =	shalt  }
0x61: {  	_ =	shalt  }
0x62: {  	_ =	shalt  }
0x63: {  	_ =	shalt  }
0x64: {  	_ =	shalt  }
0x65: {  	_ =	shalt  }
0x66: {  	_ =	shalt  }
0x67: {  	_ =	shalt  }
0x68: {  	_ =	shalt  }
0x69: {  	_ =	shalt  }
0x6a: {  	_ =	shalt  }
0x6b: {  	_ =	shalt  }
0x6c: {  	_ =	shalt  }
0x6d: {  	_ =	shalt  }
0x6e: {  	_ =	shalt  }
0x6f: {  	_ =	shalt  }
0x70: {  	_ =	shalt  }
0x71: {  	_ =	shalt  }
0x72: {  	_ =	shalt  }
0x73: {  	_ =	shalt  }
0x74: {  	_ =	shalt  }
0x75: {  	_ =	shalt  }
0x76: {  	_ =	shalt  }
0x77: {  	_ =	shalt  }
0x78: {  	_ =	shalt  }
0x79: {  	_ =	shalt  }
0x7a: {  	_ =	shalt  }
0x7b: {  	_ =	shalt  }
0x7c: {  	_ =	shalt  }
0x7d: {  	_ =	shalt  }
0x7e: {  	_ =	shalt  }
0x7f: {  	_ =	shalt  }
0x80: {  	_ =	shalt  }
0x81: {  	_ =	shalt  }
0x82: {  	_ =	shalt  }
0x83: {  	_ =	shalt  }
0x84: {  	_ =	shalt  }
0x85: {  	_ =	shalt  }
0x86: {  	_ =	shalt  }
0x87: {  	_ =	shalt  }
.Lfunc_end0:
.L_simem_size_0:
called_computation_lowered:
.L_overlay_start_0:
0x88: {  	s2 =	sld [smem:$0x3FD9]  }
0x89: {  	s3 =	sld [smem:$0x3FFE];
	_ =	sdelay $0x1  }
0x8a: {  	s1 =	srdreg.scid  }
0x8b: {  	s0 =	sand.u32 $0x1, s1  }
0x8c: {  	s14 =	sshll.u32 s0, $0xA;
	s2 =	sadd.s32 s3, s2  }
0x8d: {  	s2 =	sadd.s32 s2, s14  }
0x8e: {  	[smem:$0x3FC7] =	sst s2  }
0x8f: {  	_ = 	snop  }
0x90: {  	s2 =	sld [smem:$0x3FD0];
	_ =	sdelay $0x2  }
0x91: {  	s4 =	simm.s32 $0xA;
	s5 =	simm.s32 $0x10;
	s15 =	sld [smem:$0x3FC9]  }
0x92: {  	[smem:s5], [sflag:s4] =	dma.local [hbm:s2], $0x1  }
0x93: {  	_ =	swait.eq [sflag:s4], $0x1  }
0x94: {  	s16 =	sld [smem:$0x10]  }
0x95: {  	s17 =	sld [smem:$0x11];
	[sflag:s4] =	ssyncset.done $0x0  }
0x96: {  	s6 =	sld [smem:$0x12];
	[sflag:s4] =	ssyncadd.s32 $0xFFFFFFFF  }
0x97: {  	s18 =	sld [smem:$0x13];
	(tm) =	ssettm $0x1  }
0x98: {  	s7 =	sld [smem:$0x3FFB];
	_ =	sdelay $0x3  }
0x99: {  	_ =	strace s7  }
0x9a: {  	s7 =	sld [smem:$0x3FFC];
	_ =	sdelay $0x3  }
0x9b: {  	_ =	strace s7  }
0x9c: {  	s7 =	sld [smem:$0x3FFD];
	_ =	sdelay $0x3  }
0x9d: {  	_ =	strace s7  }
0x9e: {  	_ =	strace $0x8FFFFFFF  }
0x9f: {  	s19 =	sld [smem:$0x3FDB];
	_ =	sdelay $0x1  }
0xa0: {  	s8 =	simm.s32 $_scs_section_size  }
0xa1: {  	s9 =	simm.s32 $_size__tile_overlayer_lowered;
	s10 =	simm.s32 $_tile_overlayer_lowered  }
0xa2: {  	s22 =	simm.s32 $0x1BFF;
	s21 =	sshll.u32 s10, $0x1;
	s7 =	sadd.s32 s8, s19  }
0xa3: {  	s11 =	simm.s32 $0x0;
	s20 =	sshll.u32 s9, $0x1;
	s9 =	sadd.s32 s21, s7  }
0xa4: {  	[timem:s11], [sflag:s22] =	dma.local [hbm:s9], s20  }
0xa5: {  	_ =	swait.ge [sflag:s22], s20  }
0xa6: {  	s8 =	ssub.s32 $0x0, s20;
	[sflag:s22] =	ssyncset.done $0x0  }
0xa7: {  	[sflag:s22] =	ssyncadd.s32 s8;
	_ =	sdelay $0x1  }
0xa8: {  	s23 =	simm.s32 $0x1B8B  }
0xa9: {  	_ =	swait.ge [sflag:s23], $0x1  }
0xaa: {  	[sflag:s23] =	ssyncset.done $0x0  }
0xab: {  	s25 =	simm.s32 $0x1B8E;
	s24 =	sld [smem:$0x3FFE];
	[sflag:s23] =	ssyncadd.s32 $0xFFFFFFFF  }
0xac: {  	s26 =	simm.s32 $execute0_lowered;
	[smem:$0x3FD2] =	sst s25  }
0xad: {  	s9 =	sshll.u32 s26, $0x1;
	_ =	strace $0x80000046;
	[dreg:$0x1] =	wrdreg $0xFFFFFFFF  }
0xae: {  	s28 =	simm.s32 $_size_execute0_lowered;
	s7 =	sadd.s32 s7, s9;
	[dreg:$0x0] =	wrdreg $0x0  }
0xaf: {  	s9 =	sshll.u32 s28, $0x1;
	[dreg:$0x2] =	wrdreg s7  }
0xb0: {  	[dreg:$0x3] =	wrdreg s9  }
0xb1: {  	[dreg:$0x4] =	wrdreg $0xC0  }
0xb2: {  	_ =	task [dreg:s11], $0x5FFFF  }
0xb3: {  	[dreg:$0x1] =	wrdreg $0xFFFFFFFF  }
0xb4: {  	[dreg:$0x0] =	wrdreg $0x60  }
0xb5: {  	[dreg:$0x2] =	wrdreg s15  }
0xb6: {  	[dreg:$0x3] =	wrdreg s24  }
0xb7: {  	[dreg:$0x4] =	wrdreg s16  }
0xb8: {  	[dreg:$0x5] =	wrdreg s17  }
0xb9: {  	[dreg:$0x6] =	wrdreg s6  }
0xba: {  	[dreg:$0x7] =	wrdreg s18  }
0xbb: {  	[dreg:$0x8] =	wrdreg $0x9  }
0xbc: {  	_ =	task.clear_ibuf [dreg:s11], $0x9FFFF;
	_ =	strace $0x90000046  }
0xbd: {  	s29 =	simm.s32 $0x9;
	_ =	strace $0x80000048  }
0xbe: {  	_ =	swait.ge [sflag:s29], $0x1  }
0xbf: {  	[sflag:s29] =	ssyncadd.s32 $0xFFFFFFFF  }
0xc0: {  	_ =	strace $0x90000048  }
0xc1: {  	_ =	sfence  }
0xc2: {  	s30 =	sld [smem:$0x0];
	_ =	sdelay $0x2  }
0xc3: {  	s31 =	sshll.u32 s1, $0xD;
	s1 =	sshrl.u32 s1, $0x2  }
0xc4: {  	s3 =	sand.u32 $0x4000, s31;
	s1 =	sadd.s32 s1, s30  }
0xc5: {  	s0 =	sor.u32 s3, s0;
	s1 =	sshll.u32 s1, $0x11  }
0xc6: {  	s0 =	sor.u32 s1, s0  }
0xc7: {  	s0 =	sadd.s32 $0x8F2B, s0  }
0xc8: {  	[sflag:s0] =	ssyncadd.remote.s32 $0x1  }
0xc9: {  	_ =	sfence.sel $0xFFFF  }
0xca: {  	[dreg:$0x0] =	wrdreg $0xFFFFFFFF;
	(pc) =	sbr.abs _section_cstart, $3  }
0xcb: {  	[dreg:$0x1] =	wrdreg $0xFFFFFFFF  }
0xcc: {  	_ =	task.clear_ibuf [dreg:s11], $0x2FFFF;
	_ =	strace $0x9FFFFFFF  }
0xcd: {  	(tm) =	ssettm $0x7FFFFFFF  }
tec
execute0_lowered:
.L_overlay_start_1:
0x0: {  	(tag) =	ssettag $0x1  }
0x1: {  	s8 =	rddreg [dreg:$0x0]  }
0x2: {  	s7 =	rddreg [dreg:$0x1];
	s1 =	stileid.u32  }
0x3: {  	s3 =	rddreg [dreg:$0x2];
	p0 =	sgt.u32 s1, $0x7  }
.Ltmp0:
0x4: {  	s4 =	rddreg [dreg:$0x3];
	(pc) =	sbr.rel @p0 .LBB2_7-.Ltmp0, $4  }
0x5: {  	s5 =	rddreg [dreg:$0x4]  }
0x6: {  	s6 =	rddreg [dreg:$0x5];
	s2 =	simm.s32 $0x0  }
0x7: {  	[smem:$0x7FF] =	sst s2  }
0x8: {  	s0 =	rddreg [dreg:$0x6];
	_ =	strace $0x80000047  }
0x9: {  	s9 =	srdreg.scid;
	s10 =	sshrl.u32 s1, $0x2  }
0xa: {  	s11 =	sshll.u32 s1, $0x8;
	s7 =	sadd.s32 $0x600, s7;
	s14 =	simm.s32 $0x1280  }
0xb: {  	s15 =	simm.s32 $0x1500;
	s16 =	simm.s32 $0x1780;
	s17 =	simm.s32 $0x0  }
0xc: {  	s9 =	sand.u32 $0x1, s9;
	s11 =	sand.u32 $0x300, s11;
	s13 =	smul.u32 $0x1400, s10  }
0xd: {  	s10 =	sshll.u32 s10, $0xF;
	s12 =	sshll.u32 s9, $0x7;
	s9 =	ssub.s32 $0x2, s9  }
0xe: {  	s11 =	sor.u32 s12, s11;
	s31 =	sshrl.u32 s9, $0x1;
	s12 =	simm.s32 $0x1000  }
0xf: {  	s10 =	sor.u32 s10, s11;
	s11 =	sor.u32 s13, s11;
	s9 =	ssub.s32 s9, s31  }
0x10: {  	s13 =	simm.s32 $0x1;
	s10 =	sshrl.u32 s10, $0x3;
	s11 =	sshrl.u32 s11, $0x3  }
0x11: {  	s9 =	smax.u32 s9, $0x1;
	s3 =	sadd.s32 s3, s10;
	s4 =	sadd.s32 s4, s11  }
0x12: {  	s5 =	sadd.s32 s5, s11;
	s6 =	sadd.s32 s6, s11;
	s7 =	sadd.s32 s7, s11  }
0x13: {  	v0 =	vimm.s32 $0x0;
	v1 =	vimm.f32 $0.0e+00;
	v2 =	vimm.f32 $1.000000000e+00;
	s8 =	sadd.s32 s8, s10;
	s10 =	simm.s32 $0x80;
	s11 =	simm.s32 $0x400  }
.LBB2_2:
0x14: {  	[tilespmem:s2], [sflag:$0x1] =	stream.strided.gather [hbm4b:s8+s10], $0x1000, s11, s10, $0x38;
	[tilespmem:$0x1A00] =	vst v63  }
0x15: {  	s20 =	simm.s32 $0x12A0  }
0x16: {  	[tilespmem:s12], [sflag:$0x1] =	stream.strided.gather [hbm4b:s7+s10], $0x280, s11, s10, $0x38;
	[tilespmem:$0x1A00] =	vst v63  }
0x17: {  	[tilespmem:s20+$0xFFFFFFF0] =	vst v0  }
0x18: {  	[tilespmem:s20+$0x0] =	vst v0  }
0x19: {  	[tilespmem:s20+$0x10] =	vst v0  }
0x1a: {  	s18 =	simm.s32 $0x1520;
	[tilespmem:s20+$0xFFFFFFE0] =	vst v0  }
0x1b: {  	[tilespmem:s18+$0xFFFFFFF0] =	vst v0  }
0x1c: {  	[tilespmem:s18+$0x0] =	vst v0  }
0x1d: {  	[tilespmem:s18+$0x10] =	vst v0  }
0x1e: {  	s19 =	simm.s32 $0x17A0;
	[tilespmem:s18+$0xFFFFFFE0] =	vst v0  }
0x1f: {  	[tilespmem:s19+$0xFFFFFFF0] =	vst v1  }
0x20: {  	[tilespmem:s19+$0x0] =	vst v1  }
0x21: {  	[tilespmem:s19+$0x10] =	vst v1  }
0x22: {  	s21 =	simm.s32 $0x12E0;
	s20 =	simm.s32 $0x0;
	[tilespmem:s19+$0xFFFFFFE0] =	vst v1  }
.LBB2_3:
0x23: {  	[tilespmem:s21+$0xFFFFFFF0] =	vst v0;
	s18 =	sadd.s32 $0x40, s18  }
0x24: {  	s19 =	sadd.s32 $0x40, s19;
	[tilespmem:s18+$0xFFFFFFF0] =	vst v0  }
0x25: {  	[tilespmem:s19+$0xFFFFFFF0] =	vst v1  }
0x26: {  	[tilespmem:s21+$0x0] =	vst v0  }
0x27: {  	[tilespmem:s18+$0x0] =	vst v0  }
0x28: {  	s20 =	sadd.s32 $0x4, s20;
	[tilespmem:s19+$0x0] =	vst v1  }
0x29: {  	p0 =	slt.u32 s20, $0x24;
	[tilespmem:s21+$0x10] =	vst v0  }
.Ltmp1:
0x2a: {  	[tilespmem:s18+$0x10] =	vst v0;
	(pc) =	sbr.rel @p0 .LBB2_3-.Ltmp1, $4  }
0x2b: {  	[tilespmem:s19+$0x10] =	vst v1  }
0x2c: {  	[tilespmem:s21+$0xFFFFFFE0] =	vst v0  }
0x2d: {  	[tilespmem:s18+$0xFFFFFFE0] =	vst v0  }
0x2e: {  	s21 =	sadd.s32 $0x40, s21;
	[tilespmem:s19+$0xFFFFFFE0] =	vst v1  }
0x2f: {  	_ =	swait.ge [sflag:s13], $0x280  }
0x30: {  	[sflag:s13] =	ssyncset.done $0x0  }
0x31: {  	[sflag:s13] =	ssyncadd.s32 $0xFFFFFD80  }
0x32: {  	_ =	swait.ge [sflag:s13], $0x1000  }
0x33: {  	[sflag:s13] =	ssyncset.done $0x0  }
0x34: {  	s18 =	simm.s32 $0x1020;
	[sflag:s13] =	ssyncadd.s32 $0xFFFFF000  }
0x35: {  	v4 =	vld [tilespmem:s18+$0xFFFFFFF0]  }
0x36: {  	v5 =	vld [tilespmem:s18+$0x20]  }
0x37: {  	v6 =	vld [tilespmem:s18+$0x0]  }
0x38: {  	v8 =	vld [tilespmem:s18+$0x10];
	_ =	sdelay $0x1  }
0x39: {  	v12 =	vand.u32 $0xFFF, v4  }
0x3a: {  	v7 =	vld [tilespmem:s18+$0xFFFFFFE0];
	v23 =	vand.u32 $0xFFF, v5  }
0x3b: {  	v20 =	vand.u32 $0xFFF, v6  }
0x3c: {  	v25 =	vand.u32 $0xFFF, v8;
	_ =	sdelay $0x1  }
0x3d: {  	v24 =	vimm.s32 $0x0;
	v10 =	vld.idx.msk [tilespmem:v12+s2+$0x0], $0xffff  }
0x3e: {  	v3 =	vand.u32 $0xFFF, v7;
	v9 =	vand.u32 $0x8000000, v4;
	vm1 =	vlt.s32 v5, $0x10000000;
	v14 =	vld.idx.msk [tilespmem:v23+s2+$0x0], $0xffff  }
0x3f: {  	vm3 =	vlt.s32 v6, $0x10000000;
	v11 =	vand.u32 $0x8000000, v8;
	v13 =	vand.u32 $0x8000000, v5;
	v26 =	vld.idx.msk [tilespmem:v20+s2+$0x0], $0xffff  }
0x40: {  	v15 =	vand.u32 $0x8000000, v6;
	v27 =	vshrl.u32 v8, $0xC;
	v28 =	vshrl.u32 v5, $0xC;
	v17 =	vld.idx.msk [tilespmem:v25+s2+$0x0], $0xffff  }
0x41: {  	v5 =	vand.u32 $0x8000000, v7;
	v16 =	vshrl.u32 v4, $0xC;
	v18 =	vshrl.u32 v6, $0xC  }
0x42: {  	vm6 =	vlt.s32 v7, $0x10000000;
	vm2 =	vlt.s32 v4, $0x10000000;
	vm0 =	veq.s32 v5, $0x0  }
0x43: {  	v22 =	vld.idx.msk [tilespmem:v3+s2+$0x0], $0xffff;
	v5 =	vadd.s32 $0xFFFFFF99, v10;
	vm4 =	vne.s32 v14, $0x0;
	v4 =	vadd.s32 $0xFFFFFF99, v14  }
0x44: {  	vm8 =	vne.s32 v10, $0x0;
	vm10 =	vne.s32 v26, $0x0;
	vm7 =	vlt.u32 v5, $0xFFFFFFFE  }
0x45: {  	v6 =	vadd.s32 $0xFFFFFF99, v17;
	vm9 =	vlt.u32 v4, $0xFFFFFFFE;
	vm7 =	vmand vm8, vm7  }
0x46: {  	v4 =	vadd.s32 $0xFFFFFF99, v26;
	vm8 =	vmand vm4, vm9;
	vm4 =	vmand vm2, vm7  }
0x47: {  	vm9 =	vlt.s32 v8, $0x10000000;
	vm1 =	vmand vm1, vm8;
	v5 =	vsel vm4, $0x1, v0  }
0x48: {  	vm7 =	vlt.u32 v6, $0xFFFFFFFE;
	vm8 =	vne.s32 v17, $0x0;
	(xrf0) =	vadd.scan.msk.s32 $0xffff, v5;
	v5 =	vadd.s32 $0xFFFFFF99, v22  }
0x49: {  	vm2 =	vne.s32 v22, $0x0;
	vm7 =	vmand vm8, vm7;
	vm11 =	vlt.u32 v5, $0xFFFFFFFE  }
0x4a: {  	s31 =	simm.s32 $0x1070;
	v5 =	vsel vm1, $0x1, v0;
	vm8 =	vmand vm2, vm11;
	vm2 =	vmand vm9, vm7  }
0x4b: {  	v19 =	vld [tilespmem:s31+$0xFFFFFFF0];
	vm7 =	vlt.u32 v4, $0xFFFFFFFE;
	(xrf0) =	vadd.scan.msk.s32 $0xffff, v5;
	vm8 =	vmand vm6, vm8;
	v4 =	vsel vm2, $0x1, v0  }
0x4c: {  	v7 =	vshrl.u32 v7, $0xC;
	vm7 =	vmand vm10, vm7;
	(xrf0) =	vadd.scan.msk.s32 $0xffff, v4;
	v4 =	vmpcnt.ones.xlane vm8  }
0x4d: {  	v29 =	vld [tilespmem:s31+$0x20];
	v6 =	vmpcnt.ones.xlane vm4;
	vm9 =	veq.s32 v9, $0x0;
	vm3 =	vmand vm3, vm7  }
0x4e: {  	v33 =	vld [tilespmem:s31+$0x10];
	vm6 =	veq.s32 v11, $0x0;
	v8 =	vsel vm3, $0x1, v0;
	v9, _, _ =	vpop (xrf0);
	v11 =	vadd.s32 v24, v4  }
0x4f: {  	v30 =	vld [tilespmem:s31+$0x0];
	vm5 =	veq.s32 v15, $0x0;
	v15 =	vmpcnt.ones.xlane vm3;
	(xrf0) =	vadd.scan.msk.s32 $0xffff, v8;
	v8 =	vadd.s32 v9, v11  }
0x50: {  	v32 =	vld [tilespmem:s31+$0xFFFFFFE0];
	v36 =	vand.u32 $0x8000000, v19;
	v11 =	vadd.s32 v11, v6;
	v21 =	vadd.s32 $0xFFFFFFFF, v8  }
0x51: {  	v5 =	vand.u32 $0xFFF, v19;
	v31, _, _ =	vpop (xrf0);
	v6 =	vadd.s32 v11, v15;
	v15 =	vmpcnt.ones.xlane vm2  }
0x52: {  	vm9 =	vmand vm9, vm4;
	v4 =	vand.u32 $0xFFF, v29;
	v9 =	vand.u32 $0x7FFF, v7;
	v7, _, _ =	vpop (xrf0)  }
0x53: {  	v59 =	vand.u32 $0x8000000, v33;
	v15 =	vadd.s32 v6, v15;
	v7 =	vadd.s32 v7, v6  }
0x54: {  	v60 =	vand.u32 $0x8000000, v30;
	v31 =	vadd.s32 v31, v15;
	v35 =	vadd.s32 $0xFFFFFFFF, v7  }
0x55: {  	v62 =	vand.u32 $0x8000000, v32;
	v16 =	vand.u32 $0x7FFF, v16;
	v31 =	vadd.s32 $0xFFFFFFFF, v31;
	[tilespmem:v21+s14+$0x0] =	vst.idx.msk vm4, v12  }
0x56: {  	vm12 =	veq.s32 v13, $0x0;
	v61 =	vand.u32 $0x7FFF, v18;
	v28 =	vand.u32 $0x7FFF, v28;
	v8 =	vld.idx.msk [tilespmem:v5+s2+$0x0], $0xffff;
	[tilespmem:v21+s15+$0x0] =	vst.idx.msk vm4, v10  }
0x57: {  	v27 =	vand.u32 $0x7FFF, v27;
	vm13 =	veq.s32 v62, $0x0;
	v34 =	vmpcnt.ones.xlane vm1;
	v7 =	vld.idx.msk [tilespmem:v4+s2+$0x0], $0xffff;
	[tilespmem:v21+s16+$0x0] =	vst.idx.msk vm4, v2  }
0x58: {  	vm6 =	vmand vm6, vm2;
	vm0 =	vmand vm0, vm8;
	v6 =	vand.u32 $0xFFF, v30;
	v37, _, _ =	vpop (xrf0);
	[tilespmem:v12+s2+$0x0] =	vst.idx.msk vm9, v16  }
0x59: {  	vm7 =	vmmov vm8;
	vm8 =	vlt.s32 v29, $0x10000000;
	v37 =	vadd.s32 v37, v11;
	[tilespmem:v35+s14+$0x0] =	vst.idx.msk vm2, v25  }
0x5a: {  	vm5 =	vmand vm5, vm3;
	v11 =	vand.u32 $0xFFF, v32;
	v37 =	vadd.s32 $0xFFFFFFFF, v37;
	[tilespmem:v31+s14+$0x0] =	vst.idx.msk vm1, v23  }
0x5b: {  	v10 =	vand.u32 $0xFFF, v33;
	v12 =	vsel vm7, $0x1, v0;
	v16 =	vadd.s32 $0xFFFFFF99, v8;
	[tilespmem:v35+s15+$0x0] =	vst.idx.msk vm2, v17  }
0x5c: {  	vm9 =	vne.s32 v8, $0x0;
	v21 =	vadd.s32 $0xFFFFFF99, v7;
	(xrf0) =	vadd.scan.msk.s32 $0xffff, v12;
	[tilespmem:v31+s15+$0x0] =	vst.idx.msk vm1, v14  }
0x5d: {  	v13 =	vld.idx.msk [tilespmem:v6+s2+$0x0], $0xffff;
	vm4 =	vlt.u32 v16, $0xFFFFFFFE;
	vm10 =	vne.s32 v7, $0x0;
	vm11 =	vlt.u32 v21, $0xFFFFFFFE;
	[tilespmem:v35+s16+$0x0] =	vst.idx.msk vm2, v2  }
0x5e: {  	v16 =	vand.u32 $0x8000000, v29;
	vm10 =	vmand vm10, vm11;
	vm11 =	vmand vm12, vm1;
	[tilespmem:v31+s16+$0x0] =	vst.idx.msk vm1, v2  }
0x5f: {  	vm4 =	vmand vm9, vm4;
	vm9 =	vlt.s32 v19, $0x10000000;
	v21 =	vadd.s32 v15, v34;
	v12 =	vld.idx.msk [tilespmem:v11+s2+$0x0], $0xffff;
	[tilespmem:v37+s14+$0x0] =	vst.idx.msk vm3, v20  }
0x60: {  	v15 =	vshrl.u32 v33, $0xC;
	v17 =	vshrl.u32 v29, $0xC;
	v19 =	vshrl.u32 v19, $0xC;
	v18 =	vld.idx.msk [tilespmem:v10+s2+$0x0], $0xffff;
	[tilespmem:v25+s2+$0x0] =	vst.idx.msk vm6, v27  }
0x61: {  	v14 =	vshrl.u32 v30, $0xC;
	vm4 =	vmand vm9, vm4;
	vm9 =	vlt.s32 v30, $0x10000000;
	[tilespmem:v37+s15+$0x0] =	vst.idx.msk vm3, v26  }
0x62: {  	vm2 =	vmand vm8, vm10;
	vm1 =	vne.s32 v13, $0x0;
	v25 =	vadd.s32 $0xFFFFFF99, v13;
	[tilespmem:v37+s16+$0x0] =	vst.idx.msk vm3, v2;
	v63, _, _ =	vpop (xrf0)  }
0x63: {  	vm8 =	vlt.u32 v25, $0xFFFFFFFE;
	[tilespmem:v20+s2+$0x0] =	vst.idx.msk vm5, v61;
	v20 =	vsel vm2, $0x1, v0;
	v24 =	vadd.s32 v63, v24  }
0x64: {  	vm1 =	vmand vm1, vm8;
	vm8 =	vne.s32 v12, $0x0;
	[tilespmem:v23+s2+$0x0] =	vst.idx.msk vm11, v28;
	v23 =	vadd.s32 $0xFFFFFFFF, v24  }
0x65: {  	v25 =	vadd.s32 $0xFFFFFF99, v18;
	vm1 =	vmand vm9, vm1;
	v24 =	vsel vm4, $0x1, v0  }
0x66: {  	vm9 =	vne.s32 v18, $0x0;
	vm3 =	vlt.u32 v25, $0xFFFFFFFE;
	(xrf0) =	vadd.scan.msk.s32 $0xffff, v24;
	v24 =	vadd.s32 $0xFFFFFF99, v12  }
0x67: {  	vm3 =	vmand vm9, vm3;
	vm9 =	vlt.s32 v33, $0x10000000;
	vm5 =	vlt.u32 v24, $0xFFFFFFFE  }
0x68: {  	vm10 =	vlt.s32 v32, $0x10000000;
	(xrf0) =	vadd.scan.msk.s32 $0xffff, v20;
	vm8 =	vmand vm8, vm5;
	vm5 =	vmand vm9, vm3  }
0x69: {  	v24 =	vsel vm1, $0x1, v0;
	vm3 =	veq.s32 v60, $0x0;
	v20 =	vsel vm5, $0x1, v0;
	[tilespmem:v23+s14+$0x0] =	vst.idx.msk vm7, v3  }
0x6a: {  	vm10 =	vmand vm10, vm8;
	vm8 =	veq.s32 v59, $0x0;
	vm12 =	vmand vm3, vm1;
	[tilespmem:v23+s15+$0x0] =	vst.idx.msk vm7, v22  }
0x6b: {  	v22 =	vshrl.u32 v32, $0xC;
	[tilespmem:v23+s16+$0x0] =	vst.idx.msk vm7, v2;
	vm7 =	veq.s32 v36, $0x0;
	v23 =	vmpcnt.ones.xlane vm4  }
0x6c: {  	s19 =	simm.s32 $0x10C0;
	s18 =	simm.s32 $0x5;
	v25, _, _ =	vpop (xrf0);
	(xrf0) =	vadd.scan.msk.s32 $0xffff, v20;
	v20 =	vmov v21;
	vm9 =	vmand vm7, vm4;
	vm7 =	vmand vm8, vm5  }
.LBB2_5:
0x6d: {  	v26 =	vld [tilespmem:s19+$0xFFFFFFF0];
	v27 =	vmpcnt.ones.xlane vm10  }
0x6e: {  	(xrf0) =	vadd.scan.msk.s32 $0xffff, v24;
	[tilespmem:v3+s2+$0x0] =	vst.idx.msk vm0, v9;
	vm0 =	vmand vm13, vm10;
	v24 =	vimm.s32 $0x0;
	v29 =	vld [tilespmem:s19+$0x0]  }
0x6f: {  	v36 =	vimm.s32 $0x0;
	v9 =	vsel vm0, $0xFFFFFFFF, v24  }
0x70: {  	v3 =	vmovc v11;
	v11 =	vadd.s32 v21, v27;
	v27 =	vand.u32 $0x7FFF, v19;
	v19 =	vmpcnt.ones.xlane vm1  }
0x71: {  	v24 =	vld [tilespmem:s19+$0x20];
	[tilespmem:$0x1FFD0] =	vst v9;
	v9 =	vand.u32 $0x7FFF, v22;
	v21 =	vadd.s32 v25, v11;
	v11 =	vadd.s32 v11, v23  }
0x72: {  	v23 =	vmpcnt.ones.xlane vm5;
	v30 =	vadd.s32 $0xFFFFFFFF, v21;
	v19 =	vadd.s32 v11, v19  }
0x73: {  	v25 =	vld [tilespmem:s19+$0x10];
	v21 =	vmpcnt.ones.xlane vm2;
	v31 =	vand.u32 $0xFFF, v26;
	vm0 =	vlt.s32 v29, $0x10000000  }
0x74: {  	v28, _, _ =	vpop (xrf0);
	v23 =	vadd.s32 v19, v23;
	v35 =	vand.u32 $0xFFF, v29;
	v36 =	vsel vm0, $0xFFFFFFFF, v36  }
0x75: {  	v28 =	vadd.s32 v28, v23;
	v21 =	vadd.s32 v23, v21;
	v23 =	vand.u32 $0x8000000, v29  }
0x76: {  	v33, _, _ =	vpop (xrf0);
	v34 =	vand.u32 $0xFFF, v24;
	[tilespmem:$0x1FFC0] =	vst v36;
	vm0 =	veq.s32 v23, $0x0;
	v23 =	vimm.s32 $0x0  }
0x77: {  	v19 =	vadd.s32 v33, v19;
	v28 =	vadd.s32 $0xFFFFFFFF, v28;
	v23 =	vsel vm0, $0xFFFFFFFF, v23;
	[tilespmem:v30+s14+$0x0] =	vst.idx.msk vm4, v5  }
0x78: {  	v22 =	vld [tilespmem:s19+$0xFFFFFFE0];
	v37 =	vadd.s32 $0xFFFFFFFF, v19;
	v55 =	vand.u32 $0xFFF, v25;
	v38 =	vand.u32 $0x8000000, v25;
	[tilespmem:$0x1FFE0] =	vst v23  }
0x79: {  	vm0 =	veq.s32 v38, $0x0;
	v23 =	vimm.s32 $0x0;
	[tilespmem:v30+s15+$0x0] =	vst.idx.msk vm4, v8;
	v56 =	vld.idx.msk [tilespmem:v35+s2+$0x0], $0xffff  }
0x7a: {  	vm8 =	vmmov vm10;
	v23 =	vsel vm0, $0xFFFFFFFF, v23;
	v8 =	vld.idx.msk [tilespmem:v31+s2+$0x0], $0xffff;
	[tilespmem:v30+s16+$0x0] =	vst.idx.msk vm4, v2  }
0x7b: {  	v58 =	vsel vm8, $0x1, v0;
	v41 =	vld.idx.msk [tilespmem:v34+s2+$0x0], $0xffff;
	[tilespmem:$0x1FFF0] =	vst v23  }
0x7c: {  	vm10 =	vlt.s32 v24, $0x10000000;
	v54, _, _ =	vpop (xrf0);
	(xrf0) =	vadd.scan.msk.s32 $0xffff, v58;
	[tilespmem:v28+s14+$0x0] =	vst.idx.msk vm2, v4  }
0x7d: {  	v33 =	vadd.s32 v54, v11;
	v11 =	vand.u32 $0xFFF, v22;
	vm4 =	veq.s32 v16, $0x0;
	v43 =	vld.idx.msk [tilespmem:v55+s2+$0x0], $0xffff;
	[tilespmem:v37+s14+$0x0] =	vst.idx.msk vm5, v10  }
0x7e: {  	v33 =	vadd.s32 $0xFFFFFFFF, v33;
	v40 =	vshrl.u32 v25, $0xC;
	vm15 =	vmand vm4, vm2;
	[tilespmem:v28+s15+$0x0] =	vst.idx.msk vm2, v7  }
0x7f: {  	vm4 =	vlt.s32 v26, $0x10000000;
	[tilespmem:v37+s15+$0x0] =	vst.idx.msk vm5, v18;
	vm6 =	vne.s32 v56, $0x0;
	v23 =	vadd.s32 $0xFFFFFF99, v8  }
0x80: {  	[tilespmem:v37+s16+$0x0] =	vst.idx.msk vm5, v2;
	v18 =	vadd.s32 $0xFFFFFF99, v41;
	vm5 =	vne.s32 v8, $0x0;
	vm3 =	vlt.u32 v23, $0xFFFFFFFE  }
0x81: {  	v63 =	vld [tilespmem:$0x1FFC0];
	[tilespmem:v28+s16+$0x0] =	vst.idx.msk vm2, v2;
	v23 =	vadd.s32 $0xFFFFFF99, v56;
	vm11 =	vlt.u32 v18, $0xFFFFFFFE;
	v18 =	vand.u32 $0x7FFF, v15  }
0x82: {  	vm0 =	vne.s32 v41, $0x0;
	vm2 =	vmand vm5, vm3;
	vm3 =	vlt.u32 v23, $0xFFFFFFFE;
	[tilespmem:v10+s2+$0x0] =	vst.idx.msk vm7, v18;
	v10, _, _ =	vpop (xrf0)  }
0x83: {  	vm0 =	vmand vm0, vm11;
	vm4 =	vmand vm4, vm2;
	v18 =	vadd.s32 v10, v20  }
0x84: {  	[tilespmem:v33+s14+$0x0] =	vst.idx.msk vm1, v6;
	vm2 =	vmand vm10, vm0;
	vm0 =	vmand vm6, vm3;
	vm6 =	vlt.s32 v25, $0x10000000;
	v25 =	vld [tilespmem:$0x1FFD0]  }
0x85: {  	v32 =	vand.u32 $0x8000000, v26;
	v19 =	vshrl.u32 v26, $0xC;
	[tilespmem:v33+s15+$0x0] =	vst.idx.msk vm1, v13  }
0x86: {  	v57 =	vld.idx.msk [tilespmem:v11+s2+$0x0], $0xffff;
	[tilespmem:v33+s16+$0x0] =	vst.idx.msk vm1, v2;
	vm1 =	vnez.u8 v63;
	v61 =	vadd.s32 $0xFFFFFF99, v43;
	v26 =	vadd.s32 $0xFFFFFFFF, v18;
	v18 =	vmovc v43  }
0x87: {  	vm5 =	vlt.u32 v61, $0xFFFFFFFE;
	vm1 =	vmand vm1, vm0;
	vm0 =	vne.s32 v18, $0x0  }
0x88: {  	vm0 =	vmand vm0, vm5  }
0x89: {  	vm5 =	vmand vm6, vm0;
	vm0 =	vnez.u8 v25;
	v25 =	vld [tilespmem:$0x1FFE0];
	_ =	sdelay $0x1  }
0x8a: {  	v42 =	vand.u32 $0x7FFF, v17;
	v39 =	vand.u32 $0x8000000, v24;
	v62 =	vadd.s32 $0xFFFFFF99, v57  }
0x8b: {  	v24 =	vshrl.u32 v24, $0xC;
	vm7 =	vlt.u32 v62, $0xFFFFFFFE;
	vm3 =	vne.s32 v57, $0x0  }
0x8c: {  	vm14 =	vlt.s32 v22, $0x10000000;
	v60 =	vsel vm4, $0x1, v0;
	vm3 =	vmand vm3, vm7  }
0x8d: {  	s18 =	sadd.s32 $0x5, s18;
	v59 =	vand.u32 $0x8000000, v22;
	(xrf0) =	vadd.scan.msk.s32 $0xffff, v60;
	vm10 =	vmand vm14, vm3;
	vm3 =	vnez.u8 v25;
	v25 =	vld [tilespmem:$0x1FFF0]  }
0x8e: {  	p0 =	slt.u32 s18, $0x23;
	v17 =	vmovc v24;
	v22 =	vshrl.u32 v22, $0xC;
	vm13 =	veq.s32 v59, $0x0;
	[tilespmem:v5+s2+$0x0] =	vst.idx.msk vm9, v27;
	v27 =	vand.u32 $0x7FFF, v14  }
.Ltmp2:
0x8f: {  	v16 =	vmovc v39;
	v14 =	vshrl.u32 v29, $0xC;
	v5 =	vmovc v31;
	vm9 =	veq.s32 v32, $0x0;
	v13 =	vmov v56;
	[tilespmem:v6+s2+$0x0] =	vst.idx.msk vm12, v27;
	(pc) =	sbr.rel @p0 .LBB2_5-.Ltmp2, $4  }
0x90: {  	v7 =	vmovc v41;
	v6 =	vmovc v35;
	v15 =	vmov v40;
	[tilespmem:v4+s2+$0x0] =	vst.idx.msk vm15, v42;
	v24 =	vsel vm2, $0x1, v0;
	v23 =	vmpcnt.ones.xlane vm4  }
0x91: {  	v4 =	vmovc v34;
	vm9 =	vmand vm9, vm4;
	(xrf0) =	vadd.scan.msk.s32 $0xffff, v24;
	v24 =	vsel vm1, $0x1, v0;
	[tilespmem:v26+s14+$0x0] =	vst.idx.msk vm8, v3  }
0x92: {  	v10 =	vmovc v55;
	v20 =	vmovc v21;
	v27 =	vsel vm5, $0x1, v0;
	[tilespmem:v26+s15+$0x0] =	vst.idx.msk vm8, v12;
	vm12 =	vmand vm3, vm1;
	vm3 =	vnez.u8 v25  }
0x93: {  	s19 =	sadd.s32 $0x50, s19;
	v12 =	vmov v57;
	[tilespmem:v26+s16+$0x0] =	vst.idx.msk vm8, v2;
	v25, _, _ =	vpop (xrf0);
	(xrf0) =	vadd.scan.msk.s32 $0xffff, v27;
	vm7 =	vmand vm3, vm5  }
0x94: {  	v26 =	vmpcnt.ones.xlane vm10;
	_ =	sdelay $0x1  }
0x95: {  	(xrf0) =	vadd.scan.msk.s32 $0xffff, v24;
	v21 =	vadd.s32 v21, v26  }
0x96: {  	v52 =	vadd.s32 v25, v21  }
0x97: {  	v54 =	vmpcnt.ones.xlane vm1;
	v24 =	vadd.s32 $0xFFFFFFFF, v52  }
0x98: {  	v55 =	vmpcnt.ones.xlane vm5;
	v53, _, _ =	vpop (xrf0);
	v21 =	vadd.s32 v21, v23  }
0x99: {  	v26 =	vadd.s32 v21, v54;
	v27, _, _ =	vpop (xrf0)  }
0x9a: {  	[tilespmem:v3+s2+$0x0] =	vst.idx.msk vm0, v9;
	v3 =	vadd.s32 v26, v55;
	v56 =	vadd.s32 v27, v26  }
0x9b: {  	v28, _, _ =	vpop (xrf0);
	v3 =	vadd.s32 v53, v3;
	v9 =	vadd.s32 $0xFFFFFFFF, v56  }
0x9c: {  	v21 =	vadd.s32 v28, v21;
	v3 =	vadd.s32 $0xFFFFFFFF, v3;
	[tilespmem:v24+s14+$0x0] =	vst.idx.msk vm4, v5  }
0x9d: {  	vm14 =	vmmov vm10;
	v21 =	vadd.s32 $0xFFFFFFFF, v21;
	[tilespmem:v24+s15+$0x0] =	vst.idx.msk vm4, v8  }
0x9e: {  	v57 =	vand.u32 $0x7FFF, v19;
	v58 =	vsel vm14, $0x1, v0;
	[tilespmem:v24+s16+$0x0] =	vst.idx.msk vm4, v2  }
0x9f: {  	(xrf0) =	vadd.scan.msk.s32 $0xffff, v58;
	[tilespmem:v5+s2+$0x0] =	vst.idx.msk vm9, v57  }
0xa0: {  	[tilespmem:v9+s14+$0x0] =	vst.idx.msk vm5, v10  }
0xa1: {  	[tilespmem:v3+s14+$0x0] =	vst.idx.msk vm2, v4  }
0xa2: {  	vm3 =	veq.s32 v16, $0x0;
	[tilespmem:v21+s14+$0x0] =	vst.idx.msk vm1, v6  }
0xa3: {  	vm3 =	vmand vm3, vm2;
	[tilespmem:v9+s15+$0x0] =	vst.idx.msk vm5, v18  }
0xa4: {  	[tilespmem:v3+s15+$0x0] =	vst.idx.msk vm2, v7  }
0xa5: {  	v59, _, _ =	vpop (xrf0);
	[tilespmem:v9+s16+$0x0] =	vst.idx.msk vm5, v2  }
0xa6: {  	[tilespmem:v3+s16+$0x0] =	vst.idx.msk vm2, v2;
	v3 =	vadd.s32 v59, v20  }
0xa7: {  	v60 =	vand.u32 $0x7FFF, v15;
	[tilespmem:v21+s15+$0x0] =	vst.idx.msk vm1, v13;
	v3 =	vadd.s32 $0xFFFFFFFF, v3  }
0xa8: {  	v61 =	vand.u32 $0x7FFF, v17;
	[tilespmem:v10+s2+$0x0] =	vst.idx.msk vm7, v60  }
0xa9: {  	vm15 =	vmand vm13, vm10;
	[tilespmem:v4+s2+$0x0] =	vst.idx.msk vm3, v61  }
0xaa: {  	v62 =	vand.u32 $0x7FFF, v14;
	[tilespmem:v21+s16+$0x0] =	vst.idx.msk vm1, v2  }
0xab: {  	[tilespmem:v6+s2+$0x0] =	vst.idx.msk vm12, v62  }
0xac: {  	[tilespmem:v3+s14+$0x0] =	vst.idx.msk vm10, v11  }
0xad: {  	[tilespmem:v3+s15+$0x0] =	vst.idx.msk vm10, v12  }
0xae: {  	v63 =	vand.u32 $0x7FFF, v22;
	[tilespmem:v3+s16+$0x0] =	vst.idx.msk vm10, v2  }
0xaf: {  	[tilespmem:v11+s2+$0x0] =	vst.idx.msk vm15, v63  }
0xb0: {  	[hbm4b:s3+s10] =	stream.strided.scatter [tilespmem:s2], [sflag:$0x1], $0x1000, s11, s10, $0x38;
	[tilespmem:$0x1A00] =	vst v63  }
0xb1: {  	_ = 	snop  }
0xb2: {  	[hbm4b:s4+s10] =	stream.strided.scatter [tilespmem:s14], [sflag:$0x1], $0x280, s11, s10, $0x38;
	[tilespmem:$0x1A00] =	vst v63  }
0xb3: {  	_ = 	snop  }
0xb4: {  	[hbm4b:s5+s10] =	stream.strided.scatter [tilespmem:s15], [sflag:$0x1], $0x280, s11, s10, $0x38;
	[tilespmem:$0x1A00] =	vst v63  }
0xb5: {  	_ = 	snop  }
0xb6: {  	[hbm4b:s6+s10] =	stream.strided.scatter [tilespmem:s16], [sflag:$0x1], $0x280, s11, s10, $0x38;
	[tilespmem:$0x1A00] =	vst v63  }
0xb7: {  	_ =	swait.ge [sflag:s13], $0x1000  }
0xb8: {  	[sflag:s13] =	ssyncset.done $0x0  }
0xb9: {  	[sflag:s13] =	ssyncadd.s32 $0xFFFFF000  }
0xba: {  	_ =	swait.ge [sflag:s13], $0x280  }
0xbb: {  	[sflag:s13] =	ssyncset.done $0x0  }
0xbc: {  	s17 =	sadd.s32 $0x1, s17;
	[sflag:s13] =	ssyncadd.s32 $0xFFFFFD80  }
0xbd: {  	p0 =	sne.s32 s17, s9;
	_ =	swait.ge [sflag:s13], $0x280  }
.Ltmp3:
0xbe: {  	[sflag:s13] =	ssyncset.done $0x0;
	(pc) =	sbr.rel @p0 .LBB2_2-.Ltmp3, $4  }
0xbf: {  	[sflag:s13] =	ssyncadd.s32 $0xFFFFFD80  }
0xc0: {  	_ =	swait.ge [sflag:s13], $0x280  }
0xc1: {  	[sflag:s13] =	ssyncset.done $0x0  }
0xc2: {  	[sflag:s13] =	ssyncadd.s32 $0xFFFFFD80  }
.LBB2_7:
0xc3: {  	_ =	sfence.sel $0x180000  }
0xc4: {  	[bflag:$0x0] =	sbarrier.arrive $0xFFFF  }
0xc5: {  	p0 =	sne.s32 s1, $0x0;
	_ =	strace $0x90000047  }
0xc6: {  	s0 =	sadd.s32 @!p0 $0x100000, s0;
	[bflag:$0x2] =	sbarrier.arrive $0xFFFF  }
0xc7: {  	[sflag:s0] =	ssyncadd.tile.s32 @!p0 $0x1;
	_ =	shalt  }
.Lfunc_end2:
_tile_overlayer_lowered:
.L_overlay_start_2:
0xc8: {  	(tag) =	ssettag $0x2  }
0xc9: {  	s0 =	rddreg [dreg:$0x0];
	s2 =	stileid.u32  }
0xca: {  	s1 =	rddreg [dreg:$0x1];
	p0 =	sne.s32 s2, $0x0  }
0xcb: {  	s3 =	rddreg [dreg:$0x2];
	[bflag:$0x3] =	sbarrier.arrive $0xFFFF;
	s2 =	simm.s32 @!p0 $0x1C02  }
0xcc: {  	[timem:s3], [sflag:s2] =	dma.local @!p0 [hbm:s0], s1  }
0xcd: {  	s0 =	simm.s32 @!p0 $0x2  }
0xce: {  	_ =	swait.ge @!p0 [sflag:s0], s1  }
0xcf: {  	s1 =	ssub.s32 @!p0 $0x0, s1;
	[sflag:s0] =	ssyncset.done @!p0 $0x0  }
0xd0: {  	[sflag:s0] =	ssyncadd.s32 @!p0 s1  }
0xd1: {  	[bflag:$0x3] =	sbarrier.arrive $0xFFFF  }
0xd2: {  	_ =	shalt  }

</sc_bundles>
